<compile_context>
chip_gen: v7x
topology: tpu7x:2x2x1
jax: 0.10.2.dev20260603
libtpu: 0.0.44.dev20260713+nightly
codegen_flags: <defaults>
</compile_context>

<pallas_src>
import math

import jax
import jax.numpy as jnp
from jax import lax
from jax.experimental import pallas as pl
from jax.experimental.pallas import tpu as pltpu
from jax.experimental.pallas import tpu_sc as plsc

NUM_PLAYERS = 5
NUM_MOVES = 50
EMB_DIM = NUM_PLAYERS * NUM_MOVES
GAMMA = 0.9
LN_GAMMA = math.log(GAMMA)
ACTIVE_T = 1024
NUM_WORKERS = 16
CHUNK = ACTIVE_T // NUM_WORKERS
LANES = 16
PAD_DIM = 256


def _sc_body(mv_hbm, pv_hbm, off_hbm, zero_hbm, out_hbm,
             mv_v, pv_v, off_v, acc, red, tmp, outv, shared, sem):
    sid = lax.axis_index("s")
    lane = lax.iota(jnp.int32, LANES)

    base = sid * CHUNK
    cpz = pltpu.async_copy(zero_hbm, acc, sem)
    cp1 = pltpu.async_copy(mv_hbm.at[pl.ds(base, CHUNK)], mv_v, sem)
    cp2 = pltpu.async_copy(pv_hbm.at[pl.ds(base, CHUNK)], pv_v, sem)
    cp3 = pltpu.async_copy(off_hbm, off_v, sem)
    cpz.wait()
    cp1.wait()
    cp2.wait()
    cp3.wait()

    off = off_v[...]
    row_base = lane * PAD_DIM
    for j in range(CHUNK // LANES):
        mv = mv_v[pl.ds(j * LANES, LANES)]
        pv = pv_v[pl.ds(j * LANES, LANES)]
        adj = jnp.where(pv >= off, pv - off, pv + (NUM_PLAYERS - off))
        ids = adj * NUM_MOVES + mv
        t = (base + j * LANES + lane).astype(jnp.float32)
        fac = jnp.exp(t * jnp.float32(LN_GAMMA))
        plsc.addupdate_scatter(acc, [row_base + ids], fac)

    n_chunks = PAD_DIM // LANES

    def _row_add(r, carry):
        rb = r * PAD_DIM
        return tuple(
            carry[c] + acc[pl.ds(rb + c * LANES, LANES)] for c in range(n_chunks)
        )

    init = tuple(acc[pl.ds(c * LANES, LANES)] for c in range(n_chunks))
    sums = lax.fori_loop(1, LANES, _row_add, init)
    for c in range(n_chunks):
        red[pl.ds(c * LANES, LANES)] = sums[c]
    pltpu.sync_copy(red, shared.at[pl.ds(sid * PAD_DIM, PAD_DIM)])

    plsc.subcore_barrier()

    pltpu.sync_copy(shared, tmp)
    col = sid * LANES

    def _part_add(r, s):
        return s + tmp[pl.ds(r * PAD_DIM + col, LANES)]

    outv[...] = lax.fori_loop(1, NUM_WORKERS, _part_add, tmp[pl.ds(col, LANES)])

    @pl.when(sid < NUM_WORKERS - 1)
    def _full_chunk():
        pltpu.sync_copy(outv, out_hbm.at[pl.ds(col, LANES)])

    @pl.when(sid == NUM_WORKERS - 1)
    def _tail_chunk():
        tail = EMB_DIM - (NUM_WORKERS - 1) * LANES
        pltpu.sync_copy(outv.at[pl.ds(0, tail)],
                        out_hbm.at[pl.ds((NUM_WORKERS - 1) * LANES, tail)])


def kernel(move_ids, players, cur_player_offset):
    mv = move_ids.astype(jnp.int32)
    pv = players.astype(jnp.int32)
    off = jnp.full((LANES,), cur_player_offset, dtype=jnp.int32)
    zero = jnp.zeros((LANES * PAD_DIM,), dtype=jnp.float32)
    mesh = plsc.VectorSubcoreMesh(
        core_axis_name="c", subcore_axis_name="s", num_cores=1
    )
    f = pl.kernel(
        _sc_body,
        out_type=jax.ShapeDtypeStruct((EMB_DIM,), jnp.float32),
        mesh=mesh,
        compiler_params=pltpu.CompilerParams(needs_layout_passes=False),
        scratch_types=[
            pltpu.VMEM((CHUNK,), jnp.int32),
            pltpu.VMEM((CHUNK,), jnp.int32),
            pltpu.VMEM((LANES,), jnp.int32),
            pltpu.VMEM((LANES * PAD_DIM,), jnp.float32),
            pltpu.VMEM((PAD_DIM,), jnp.float32),
            pltpu.VMEM((NUM_WORKERS * PAD_DIM,), jnp.float32),
            pltpu.VMEM((LANES,), jnp.float32),
            pltpu.VMEM_SHARED((NUM_WORKERS * PAD_DIM,), jnp.float32),
            pltpu.SemaphoreType.DMA,
        ],
    )
    return f(mv, pv, off, zero)

# --- scband reference (transcript-rebuilt; emitter-appended) ---
"""Pipeline reference for scband-last-moves-encoder-20237885899564 (READ-ONLY COPY).

The authoritative reference and input builder live on the scoring server;
editing this copy changes nothing except your own understanding.
"""

import jax, jax.numpy as jnp
import numpy as np

NUM_PLAYERS = 5
HAND_SIZE = 5
NUM_COLORS = 5
NUM_RANKS = 5
GAMMA = 0.9
# count_total_moves: discard + play + reveal-color + reveal-rank
NUM_MOVES = 2 * HAND_SIZE + (NUM_PLAYERS - 1) * (NUM_COLORS + NUM_RANKS)  # 50
EMB_DIM = NUM_PLAYERS * NUM_MOVES  # 250
T = 1048576


def setup_inputs(seed: int = 0) -> dict:
    key = jax.random.key(seed)
    k1, k2 = jax.random.split(key)
    move_ids = jax.random.randint(k1, (T,), 0, NUM_MOVES)
    players = jax.random.randint(k2, (T,), 0, NUM_PLAYERS)
    return {"move_ids": move_ids, "players": players, "cur_player_offset": 2}


def reference(move_ids, players, cur_player_offset):
    # Relative-player adjustment (same logic as the torch loop, vectorized)
    adj_player = jnp.where(
        players >= cur_player_offset,
        players - cur_player_offset,
        NUM_PLAYERS + players - cur_player_offset,
    )
    ids = adj_player * NUM_MOVES + move_ids
    # factor = gamma ** arange(T); sum(factor[:,None] * one_hot(ids)) == scatter-add of factor at ids
    factor = GAMMA ** jnp.arange(move_ids.shape[0], dtype=jnp.float32)
    emb = jnp.zeros((EMB_DIM,), dtype=jnp.float32).at[ids].add(factor)
    return emb

if __name__ == "__main__":
    import jax
    _d = setup_inputs()
    print(jax.jit(kernel)(*tuple(_d.values())))

</pallas_src>

<mosaic_0001>
#map = affine_map<(d0, d1) -> (0)>
module attributes {stable_mosaic.version = 14 : i64} {
  func.func @_sc_body(%arg0: i32, %arg1: i32, %arg2: memref<1048576xi32, #tpu.memory_space<hbm>>, %arg3: memref<1048576xi32, #tpu.memory_space<hbm>>, %arg4: memref<16xi32, #tpu.memory_space<hbm>>, %arg5: memref<4096xf32, #tpu.memory_space<hbm>>, %arg6: memref<250xf32, #tpu.memory_space<hbm>>, %arg7: memref<64xi32, #tpu.memory_space<vmem>>, %arg8: memref<64xi32, #tpu.memory_space<vmem>>, %arg9: memref<16xi32, #tpu.memory_space<vmem>>, %arg10: memref<4096xf32, #tpu.memory_space<vmem>>, %arg11: memref<256xf32, #tpu.memory_space<vmem>>, %arg12: memref<4096xf32, #tpu.memory_space<vmem>>, %arg13: memref<16xf32, #tpu.memory_space<vmem>>, %arg14: memref<4096xf32, #tpu.memory_space<vmem_shared>>, %arg15: memref<!tpu.dma_semaphore, #tpu.memory_space<semaphore_mem>>) attributes {dimension_semantics = [#tpu.dimension_semantics<core_parallel>, #tpu.dimension_semantics<subcore_parallel>], iteration_bounds = array<i64: 1, 16>, scalar_prefetch = 0 : i64, scratch_operands = 9 : i64, tpu.core_type = #tpu.core_type<sc_vector_subcore>, window_params = [{transform_indices = #map}, {transform_indices = #map}, {transform_indices = #map}, {transform_indices = #map}, {transform_indices = #map}]} {
    %iota3A = tpu.iota {dimensions = array<i32: 0>} : vector<16xi32>
    %mul3A = arith.constant 64 : i32
    %mul3A_0 = arith.muli %arg1, %mul3A : i32
    tpu.enqueue_dma source(%arg5 : memref<4096xf32, #tpu.memory_space<hbm>>) target(%arg10 : memref<4096xf32, #tpu.memory_space<vmem>>) target_semaphore(%arg15 : memref<!tpu.dma_semaphore, #tpu.memory_space<semaphore_mem>>)
    %dma_start3A = tpu.memref_slice %arg2[%mul3A_0] : memref<1048576xi32, #tpu.memory_space<hbm>> -> memref<64xi32, #tpu.memory_space<hbm>>
    %dma_start3A_1 = tpu.memref_slice %arg2[%mul3A_0] : memref<1048576xi32, #tpu.memory_space<hbm>> -> memref<64xi32, #tpu.memory_space<hbm>>
    tpu.enqueue_dma source(%dma_start3A_1 : memref<64xi32, #tpu.memory_space<hbm>>) target(%arg7 : memref<64xi32, #tpu.memory_space<vmem>>) target_semaphore(%arg15 : memref<!tpu.dma_semaphore, #tpu.memory_space<semaphore_mem>>)
    %dma_start3A_2 = tpu.memref_slice %arg3[%mul3A_0] : memref<1048576xi32, #tpu.memory_space<hbm>> -> memref<64xi32, #tpu.memory_space<hbm>>
    %dma_start3A_3 = tpu.memref_slice %arg3[%mul3A_0] : memref<1048576xi32, #tpu.memory_space<hbm>> -> memref<64xi32, #tpu.memory_space<hbm>>
    tpu.enqueue_dma source(%dma_start3A_3 : memref<64xi32, #tpu.memory_space<hbm>>) target(%arg8 : memref<64xi32, #tpu.memory_space<vmem>>) target_semaphore(%arg15 : memref<!tpu.dma_semaphore, #tpu.memory_space<semaphore_mem>>)
    tpu.enqueue_dma source(%arg4 : memref<16xi32, #tpu.memory_space<hbm>>) target(%arg9 : memref<16xi32, #tpu.memory_space<vmem>>) target_semaphore(%arg15 : memref<!tpu.dma_semaphore, #tpu.memory_space<semaphore_mem>>)
    tpu.wait_dma2 semaphore(%arg15 : memref<!tpu.dma_semaphore, #tpu.memory_space<semaphore_mem>>) src(%arg5 : memref<4096xf32, #tpu.memory_space<hbm>>) dst(%arg10 : memref<4096xf32, #tpu.memory_space<vmem>>)
    %dma_wait3A = tpu.memref_slice %arg2[%mul3A_0] : memref<1048576xi32, #tpu.memory_space<hbm>> -> memref<64xi32, #tpu.memory_space<hbm>>
    %dma_wait3A_4 = tpu.memref_slice %arg2[%mul3A_0] : memref<1048576xi32, #tpu.memory_space<hbm>> -> memref<64xi32, #tpu.memory_space<hbm>>
    tpu.wait_dma2 semaphore(%arg15 : memref<!tpu.dma_semaphore, #tpu.memory_space<semaphore_mem>>) src(%dma_wait3A_4 : memref<64xi32, #tpu.memory_space<hbm>>) dst(%arg7 : memref<64xi32, #tpu.memory_space<vmem>>)
    %dma_wait3A_5 = tpu.memref_slice %arg3[%mul3A_0] : memref<1048576xi32, #tpu.memory_space<hbm>> -> memref<64xi32, #tpu.memory_space<hbm>>
    %dma_wait3A_6 = tpu.memref_slice %arg3[%mul3A_0] : memref<1048576xi32, #tpu.memory_space<hbm>> -> memref<64xi32, #tpu.memory_space<hbm>>
    tpu.wait_dma2 semaphore(%arg15 : memref<!tpu.dma_semaphore, #tpu.memory_space<semaphore_mem>>) src(%dma_wait3A_6 : memref<64xi32, #tpu.memory_space<hbm>>) dst(%arg8 : memref<64xi32, #tpu.memory_space<vmem>>)
    tpu.wait_dma2 semaphore(%arg15 : memref<!tpu.dma_semaphore, #tpu.memory_space<semaphore_mem>>) src(%arg4 : memref<16xi32, #tpu.memory_space<hbm>>) dst(%arg9 : memref<16xi32, #tpu.memory_space<vmem>>)
    %get3A = arith.constant 0 : index
    %get3A_7 = tpu.vector_load %arg9[%get3A] {strides = array<i32>} : memref<16xi32, #tpu.memory_space<vmem>>, vector<16xi32>,
    %mul3A_8 = arith.constant 256 : i32
    %mul3A_9 = vector.broadcast %mul3A_8 : i32 to vector<16xi32>
    %mul3A_10 = arith.muli %iota3A, %mul3A_9 : vector<16xi32>
    %get3A_11 = arith.constant 0 : index
    %get3A_12 = tpu.vector_load %arg7[%get3A_11] {strides = array<i32>} : memref<64xi32, #tpu.memory_space<vmem>>, vector<16xi32>,
    %get3A_13 = arith.constant 0 : index
    %get3A_14 = tpu.vector_load %arg8[%get3A_13] {strides = array<i32>} : memref<64xi32, #tpu.memory_space<vmem>>, vector<16xi32>,
    %ge3A = arith.cmpi sge, %get3A_14, %get3A_7 : vector<16xi32>
    %sub3A = arith.subi %get3A_14, %get3A_7 : vector<16xi32>
    %sub3A_15 = arith.constant 5 : i32
    %sub3A_16 = vector.broadcast %sub3A_15 : i32 to vector<16xi32>
    %sub3A_17 = arith.subi %sub3A_16, %get3A_7 : vector<16xi32>
    %add3A = arith.addi %get3A_14, %sub3A_17 : vector<16xi32>
    %select_n3A = arith.select %ge3A, %sub3A, %add3A : vector<16xi1>, vector<16xi32>
    %mul3A_18 = arith.constant 50 : i32
    %mul3A_19 = vector.broadcast %mul3A_18 : i32 to vector<16xi32>
    %mul3A_20 = arith.muli %select_n3A, %mul3A_19 : vector<16xi32>
    %add3A_21 = arith.addi %mul3A_20, %get3A_12 : vector<16xi32>
    %add3A_22 = arith.constant 0 : i32
    %add3A_23 = arith.addi %mul3A_0, %add3A_22 : i32
    %add3A_24 = vector.broadcast %add3A_23 : i32 to vector<16xi32>
    %add3A_25 = arith.addi %add3A_24, %iota3A : vector<16xi32>
    %convert_element_type3A = arith.sitofp %add3A_25 : vector<16xi32> to vector<16xf32>
    %mul3A_26 = arith.constant -0.105360515 : f32
    %mul3A_27 = vector.broadcast %mul3A_26 : f32 to vector<16xf32>
    %mul3A_28 = arith.mulf %convert_element_type3A, %mul3A_27 : vector<16xf32>
    %exp3A = math.exp %mul3A_28 : vector<16xf32>
    %add3A_29 = arith.addi %mul3A_10, %add3A_21 : vector<16xi32>
    tpu.vector_store_idx %arg10[%add3A_29], %exp3A {add = true} : memref<4096xf32, #tpu.memory_space<vmem>>[vector<16xi32>], vector<16xf32>,
    %get3A_30 = arith.constant 16 : index
    %get3A_31 = tpu.vector_load %arg7[%get3A_30] {strides = array<i32>} : memref<64xi32, #tpu.memory_space<vmem>>, vector<16xi32>,
    %get3A_32 = arith.constant 16 : index
    %get3A_33 = tpu.vector_load %arg8[%get3A_32] {strides = array<i32>} : memref<64xi32, #tpu.memory_space<vmem>>, vector<16xi32>,
    %ge3A_34 = arith.cmpi sge, %get3A_33, %get3A_7 : vector<16xi32>
    %sub3A_35 = arith.subi %get3A_33, %get3A_7 : vector<16xi32>
    %sub3A_36 = arith.constant 5 : i32
    %sub3A_37 = vector.broadcast %sub3A_36 : i32 to vector<16xi32>
    %sub3A_38 = arith.subi %sub3A_37, %get3A_7 : vector<16xi32>
    %add3A_39 = arith.addi %get3A_33, %sub3A_38 : vector<16xi32>
    %select_n3A_40 = arith.select %ge3A_34, %sub3A_35, %add3A_39 : vector<16xi1>, vector<16xi32>
    %mul3A_41 = arith.constant 50 : i32
    %mul3A_42 = vector.broadcast %mul3A_41 : i32 to vector<16xi32>
    %mul3A_43 = arith.muli %select_n3A_40, %mul3A_42 : vector<16xi32>
    %add3A_44 = arith.addi %mul3A_43, %get3A_31 : vector<16xi32>
    %add3A_45 = arith.constant 16 : i32
    %add3A_46 = arith.addi %mul3A_0, %add3A_45 : i32
    %add3A_47 = vector.broadcast %add3A_46 : i32 to vector<16xi32>
    %add3A_48 = arith.addi %add3A_47, %iota3A : vector<16xi32>
    %convert_element_type3A_49 = arith.sitofp %add3A_48 : vector<16xi32> to vector<16xf32>
    %mul3A_50 = arith.constant -0.105360515 : f32
    %mul3A_51 = vector.broadcast %mul3A_50 : f32 to vector<16xf32>
    %mul3A_52 = arith.mulf %convert_element_type3A_49, %mul3A_51 : vector<16xf32>
    %exp3A_53 = math.exp %mul3A_52 : vector<16xf32>
    %add3A_54 = arith.addi %mul3A_10, %add3A_44 : vector<16xi32>
    tpu.vector_store_idx %arg10[%add3A_54], %exp3A_53 {add = true} : memref<4096xf32, #tpu.memory_space<vmem>>[vector<16xi32>], vector<16xf32>,
    %get3A_55 = arith.constant 32 : index
    %get3A_56 = tpu.vector_load %arg7[%get3A_55] {strides = array<i32>} : memref<64xi32, #tpu.memory_space<vmem>>, vector<16xi32>,
    %get3A_57 = arith.constant 32 : index
    %get3A_58 = tpu.vector_load %arg8[%get3A_57] {strides = array<i32>} : memref<64xi32, #tpu.memory_space<vmem>>, vector<16xi32>,
    %ge3A_59 = arith.cmpi sge, %get3A_58, %get3A_7 : vector<16xi32>
    %sub3A_60 = arith.subi %get3A_58, %get3A_7 : vector<16xi32>
    %sub3A_61 = arith.constant 5 : i32
    %sub3A_62 = vector.broadcast %sub3A_61 : i32 to vector<16xi32>
    %sub3A_63 = arith.subi %sub3A_62, %get3A_7 : vector<16xi32>
    %add3A_64 = arith.addi %get3A_58, %sub3A_63 : vector<16xi32>
    %select_n3A_65 = arith.select %ge3A_59, %sub3A_60, %add3A_64 : vector<16xi1>, vector<16xi32>
    %mul3A_66 = arith.constant 50 : i32
    %mul3A_67 = vector.broadcast %mul3A_66 : i32 to vector<16xi32>
    %mul3A_68 = arith.muli %select_n3A_65, %mul3A_67 : vector<16xi32>
    %add3A_69 = arith.addi %mul3A_68, %get3A_56 : vector<16xi32>
    %add3A_70 = arith.constant 32 : i32
    %add3A_71 = arith.addi %mul3A_0, %add3A_70 : i32
    %add3A_72 = vector.broadcast %add3A_71 : i32 to vector<16xi32>
    %add3A_73 = arith.addi %add3A_72, %iota3A : vector<16xi32>
    %convert_element_type3A_74 = arith.sitofp %add3A_73 : vector<16xi32> to vector<16xf32>
    %mul3A_75 = arith.constant -0.105360515 : f32
    %mul3A_76 = vector.broadcast %mul3A_75 : f32 to vector<16xf32>
    %mul3A_77 = arith.mulf %convert_element_type3A_74, %mul3A_76 : vector<16xf32>
    %exp3A_78 = math.exp %mul3A_77 : vector<16xf32>
    %add3A_79 = arith.addi %mul3A_10, %add3A_69 : vector<16xi32>
    tpu.vector_store_idx %arg10[%add3A_79], %exp3A_78 {add = true} : memref<4096xf32, #tpu.memory_space<vmem>>[vector<16xi32>], vector<16xf32>,
    %get3A_80 = arith.constant 48 : index
    %get3A_81 = tpu.vector_load %arg7[%get3A_80] {strides = array<i32>} : memref<64xi32, #tpu.memory_space<vmem>>, vector<16xi32>,
    %get3A_82 = arith.constant 48 : index
    %get3A_83 = tpu.vector_load %arg8[%get3A_82] {strides = array<i32>} : memref<64xi32, #tpu.memory_space<vmem>>, vector<16xi32>,
    %ge3A_84 = arith.cmpi sge, %get3A_83, %get3A_7 : vector<16xi32>
    %sub3A_85 = arith.subi %get3A_83, %get3A_7 : vector<16xi32>
    %sub3A_86 = arith.constant 5 : i32
    %sub3A_87 = vector.broadcast %sub3A_86 : i32 to vector<16xi32>
    %sub3A_88 = arith.subi %sub3A_87, %get3A_7 : vector<16xi32>
    %add3A_89 = arith.addi %get3A_83, %sub3A_88 : vector<16xi32>
    %select_n3A_90 = arith.select %ge3A_84, %sub3A_85, %add3A_89 : vector<16xi1>, vector<16xi32>
    %mul3A_91 = arith.constant 50 : i32
    %mul3A_92 = vector.broadcast %mul3A_91 : i32 to vector<16xi32>
    %mul3A_93 = arith.muli %select_n3A_90, %mul3A_92 : vector<16xi32>
    %add3A_94 = arith.addi %mul3A_93, %get3A_81 : vector<16xi32>
    %add3A_95 = arith.constant 48 : i32
    %add3A_96 = arith.addi %mul3A_0, %add3A_95 : i32
    %add3A_97 = vector.broadcast %add3A_96 : i32 to vector<16xi32>
    %add3A_98 = arith.addi %add3A_97, %iota3A : vector<16xi32>
    %convert_element_type3A_99 = arith.sitofp %add3A_98 : vector<16xi32> to vector<16xf32>
    %mul3A_100 = arith.constant -0.105360515 : f32
    %mul3A_101 = vector.broadcast %mul3A_100 : f32 to vector<16xf32>
    %mul3A_102 = arith.mulf %convert_element_type3A_99, %mul3A_101 : vector<16xf32>
    %exp3A_103 = math.exp %mul3A_102 : vector<16xf32>
    %add3A_104 = arith.addi %mul3A_10, %add3A_94 : vector<16xi32>
    tpu.vector_store_idx %arg10[%add3A_104], %exp3A_103 {add = true} : memref<4096xf32, #tpu.memory_space<vmem>>[vector<16xi32>], vector<16xf32>,
    %get3A_105 = arith.constant 0 : index
    %get3A_106 = tpu.vector_load %arg10[%get3A_105] {strides = array<i32>} : memref<4096xf32, #tpu.memory_space<vmem>>, vector<16xf32>,
    %get3A_107 = arith.constant 16 : index
    %get3A_108 = tpu.vector_load %arg10[%get3A_107] {strides = array<i32>} : memref<4096xf32, #tpu.memory_space<vmem>>, vector<16xf32>,
    %get3A_109 = arith.constant 32 : index
    %get3A_110 = tpu.vector_load %arg10[%get3A_109] {strides = array<i32>} : memref<4096xf32, #tpu.memory_space<vmem>>, vector<16xf32>,
    %get3A_111 = arith.constant 48 : index
    %get3A_112 = tpu.vector_load %arg10[%get3A_111] {strides = array<i32>} : memref<4096xf32, #tpu.memory_space<vmem>>, vector<16xf32>,
    %get3A_113 = arith.constant 64 : index
    %get3A_114 = tpu.vector_load %arg10[%get3A_113] {strides = array<i32>} : memref<4096xf32, #tpu.memory_space<vmem>>, vector<16xf32>,
    %get3A_115 = arith.constant 80 : index
    %get3A_116 = tpu.vector_load %arg10[%get3A_115] {strides = array<i32>} : memref<4096xf32, #tpu.memory_space<vmem>>, vector<16xf32>,
    %get3A_117 = arith.constant 96 : index
    %get3A_118 = tpu.vector_load %arg10[%get3A_117] {strides = array<i32>} : memref<4096xf32, #tpu.memory_space<vmem>>, vector<16xf32>,
    %get3A_119 = arith.constant 112 : index
    %get3A_120 = tpu.vector_load %arg10[%get3A_119] {strides = array<i32>} : memref<4096xf32, #tpu.memory_space<vmem>>, vector<16xf32>,
    %get3A_121 = arith.constant 128 : index
    %get3A_122 = tpu.vector_load %arg10[%get3A_121] {strides = array<i32>} : memref<4096xf32, #tpu.memory_space<vmem>>, vector<16xf32>,
    %get3A_123 = arith.constant 144 : index
    %get3A_124 = tpu.vector_load %arg10[%get3A_123] {strides = array<i32>} : memref<4096xf32, #tpu.memory_space<vmem>>, vector<16xf32>,
    %get3A_125 = arith.constant 160 : index
    %get3A_126 = tpu.vector_load %arg10[%get3A_125] {strides = array<i32>} : memref<4096xf32, #tpu.memory_space<vmem>>, vector<16xf32>,
    %get3A_127 = arith.constant 176 : index
    %get3A_128 = tpu.vector_load %arg10[%get3A_127] {strides = array<i32>} : memref<4096xf32, #tpu.memory_space<vmem>>, vector<16xf32>,
    %get3A_129 = arith.constant 192 : index
    %get3A_130 = tpu.vector_load %arg10[%get3A_129] {strides = array<i32>} : memref<4096xf32, #tpu.memory_space<vmem>>, vector<16xf32>,
    %get3A_131 = arith.constant 208 : index
    %get3A_132 = tpu.vector_load %arg10[%get3A_131] {strides = array<i32>} : memref<4096xf32, #tpu.memory_space<vmem>>, vector<16xf32>,
    %get3A_133 = arith.constant 224 : index
    %get3A_134 = tpu.vector_load %arg10[%get3A_133] {strides = array<i32>} : memref<4096xf32, #tpu.memory_space<vmem>>, vector<16xf32>,
    %get3A_135 = arith.constant 240 : index
    %get3A_136 = tpu.vector_load %arg10[%get3A_135] {strides = array<i32>} : memref<4096xf32, #tpu.memory_space<vmem>>, vector<16xf32>,
    %scan3A = arith.constant 1 : i32
    %scan3A_137 = arith.constant 15 : i32
    %scan3A_138 = arith.addi %scan3A, %scan3A_137 : i32
    %scan3A_139 = arith.constant 1 : i32
    %scan3A_140:16 = scf.for %scan3A_194 = %scan3A to %scan3A_138 step %scan3A_139 iter_args(%scan3A_195 = %get3A_106, %scan3A_196 = %get3A_108, %scan3A_197 = %get3A_110, %scan3A_198 = %get3A_112, %scan3A_199 = %get3A_114, %scan3A_200 = %get3A_116, %scan3A_201 = %get3A_118, %scan3A_202 = %get3A_120, %scan3A_203 = %get3A_122, %scan3A_204 = %get3A_124, %scan3A_205 = %get3A_126, %scan3A_206 = %get3A_128, %scan3A_207 = %get3A_130, %scan3A_208 = %get3A_132, %scan3A_209 = %get3A_134, %scan3A_210 = %get3A_136) -> (vector<16xf32>, vector<16xf32>, vector<16xf32>, vector<16xf32>, vector<16xf32>, vector<16xf32>, vector<16xf32>, vector<16xf32>, vector<16xf32>, vector<16xf32>, vector<16xf32>, vector<16xf32>, vector<16xf32>, vector<16xf32>, vector<16xf32>, vector<16xf32>)  : i32 {
      %mul3A_211 = arith.constant 256 : i32
      %mul3A_212 = arith.muli %scan3A_194, %mul3A_211 : i32
      %add3A_213 = arith.constant 0 : i32
      %add3A_214 = arith.addi %mul3A_212, %add3A_213 : i32
      %get3A_215 = arith.index_cast %add3A_214 : i32 to index
      %get3A_216 = tpu.vector_load %arg10[%get3A_215] {strides = array<i32>} : memref<4096xf32, #tpu.memory_space<vmem>>, vector<16xf32>,
      %add3A_217 = arith.addf %scan3A_195, %get3A_216 : vector<16xf32>
      %add3A_218 = arith.constant 16 : i32
      %add3A_219 = arith.addi %mul3A_212, %add3A_218 : i32
      %get3A_220 = arith.index_cast %add3A_219 : i32 to index
      %get3A_221 = tpu.vector_load %arg10[%get3A_220] {strides = array<i32>} : memref<4096xf32, #tpu.memory_space<vmem>>, vector<16xf32>,
      %add3A_222 = arith.addf %scan3A_196, %get3A_221 : vector<16xf32>
      %add3A_223 = arith.constant 32 : i32
      %add3A_224 = arith.addi %mul3A_212, %add3A_223 : i32
      %get3A_225 = arith.index_cast %add3A_224 : i32 to index
      %get3A_226 = tpu.vector_load %arg10[%get3A_225] {strides = array<i32>} : memref<4096xf32, #tpu.memory_space<vmem>>, vector<16xf32>,
      %add3A_227 = arith.addf %scan3A_197, %get3A_226 : vector<16xf32>
      %add3A_228 = arith.constant 48 : i32
      %add3A_229 = arith.addi %mul3A_212, %add3A_228 : i32
      %get3A_230 = arith.index_cast %add3A_229 : i32 to index
      %get3A_231 = tpu.vector_load %arg10[%get3A_230] {strides = array<i32>} : memref<4096xf32, #tpu.memory_space<vmem>>, vector<16xf32>,
      %add3A_232 = arith.addf %scan3A_198, %get3A_231 : vector<16xf32>
      %add3A_233 = arith.constant 64 : i32
      %add3A_234 = arith.addi %mul3A_212, %add3A_233 : i32
      %get3A_235 = arith.index_cast %add3A_234 : i32 to index
      %get3A_236 = tpu.vector_load %arg10[%get3A_235] {strides = array<i32>} : memref<4096xf32, #tpu.memory_space<vmem>>, vector<16xf32>,
      %add3A_237 = arith.addf %scan3A_199, %get3A_236 : vector<16xf32>
      %add3A_238 = arith.constant 80 : i32
      %add3A_239 = arith.addi %mul3A_212, %add3A_238 : i32
      %get3A_240 = arith.index_cast %add3A_239 : i32 to index
      %get3A_241 = tpu.vector_load %arg10[%get3A_240] {strides = array<i32>} : memref<4096xf32, #tpu.memory_space<vmem>>, vector<16xf32>,
      %add3A_242 = arith.addf %scan3A_200, %get3A_241 : vector<16xf32>
      %add3A_243 = arith.constant 96 : i32
      %add3A_244 = arith.addi %mul3A_212, %add3A_243 : i32
      %get3A_245 = arith.index_cast %add3A_244 : i32 to index
      %get3A_246 = tpu.vector_load %arg10[%get3A_245] {strides = array<i32>} : memref<4096xf32, #tpu.memory_space<vmem>>, vector<16xf32>,
      %add3A_247 = arith.addf %scan3A_201, %get3A_246 : vector<16xf32>
      %add3A_248 = arith.constant 112 : i32
      %add3A_249 = arith.addi %mul3A_212, %add3A_248 : i32
      %get3A_250 = arith.index_cast %add3A_249 : i32 to index
      %get3A_251 = tpu.vector_load %arg10[%get3A_250] {strides = array<i32>} : memref<4096xf32, #tpu.memory_space<vmem>>, vector<16xf32>,
      %add3A_252 = arith.addf %scan3A_202, %get3A_251 : vector<16xf32>
      %add3A_253 = arith.constant 128 : i32
      %add3A_254 = arith.addi %mul3A_212, %add3A_253 : i32
      %get3A_255 = arith.index_cast %add3A_254 : i32 to index
      %get3A_256 = tpu.vector_load %arg10[%get3A_255] {strides = array<i32>} : memref<4096xf32, #tpu.memory_space<vmem>>, vector<16xf32>,
      %add3A_257 = arith.addf %scan3A_203, %get3A_256 : vector<16xf32>
      %add3A_258 = arith.constant 144 : i32
      %add3A_259 = arith.addi %mul3A_212, %add3A_258 : i32
      %get3A_260 = arith.index_cast %add3A_259 : i32 to index
      %get3A_261 = tpu.vector_load %arg10[%get3A_260] {strides = array<i32>} : memref<4096xf32, #tpu.memory_space<vmem>>, vector<16xf32>,
      %add3A_262 = arith.addf %scan3A_204, %get3A_261 : vector<16xf32>
      %add3A_263 = arith.constant 160 : i32
      %add3A_264 = arith.addi %mul3A_212, %add3A_263 : i32
      %get3A_265 = arith.index_cast %add3A_264 : i32 to index
      %get3A_266 = tpu.vector_load %arg10[%get3A_265] {strides = array<i32>} : memref<4096xf32, #tpu.memory_space<vmem>>, vector<16xf32>,
      %add3A_267 = arith.addf %scan3A_205, %get3A_266 : vector<16xf32>
      %add3A_268 = arith.constant 176 : i32
      %add3A_269 = arith.addi %mul3A_212, %add3A_268 : i32
      %get3A_270 = arith.index_cast %add3A_269 : i32 to index
      %get3A_271 = tpu.vector_load %arg10[%get3A_270] {strides = array<i32>} : memref<4096xf32, #tpu.memory_space<vmem>>, vector<16xf32>,
      %add3A_272 = arith.addf %scan3A_206, %get3A_271 : vector<16xf32>
      %add3A_273 = arith.constant 192 : i32
      %add3A_274 = arith.addi %mul3A_212, %add3A_273 : i32
      %get3A_275 = arith.index_cast %add3A_274 : i32 to index
      %get3A_276 = tpu.vector_load %arg10[%get3A_275] {strides = array<i32>} : memref<4096xf32, #tpu.memory_space<vmem>>, vector<16xf32>,
      %add3A_277 = arith.addf %scan3A_207, %get3A_276 : vector<16xf32>
      %add3A_278 = arith.constant 208 : i32
      %add3A_279 = arith.addi %mul3A_212, %add3A_278 : i32
      %get3A_280 = arith.index_cast %add3A_279 : i32 to index
      %get3A_281 = tpu.vector_load %arg10[%get3A_280] {strides = array<i32>} : memref<4096xf32, #tpu.memory_space<vmem>>, vector<16xf32>,
      %add3A_282 = arith.addf %scan3A_208, %get3A_281 : vector<16xf32>
      %add3A_283 = arith.constant 224 : i32
      %add3A_284 = arith.addi %mul3A_212, %add3A_283 : i32
      %get3A_285 = arith.index_cast %add3A_284 : i32 to index
      %get3A_286 = tpu.vector_load %arg10[%get3A_285] {strides = array<i32>} : memref<4096xf32, #tpu.memory_space<vmem>>, vector<16xf32>,
      %add3A_287 = arith.addf %scan3A_209, %get3A_286 : vector<16xf32>
      %add3A_288 = arith.constant 240 : i32
      %add3A_289 = arith.addi %mul3A_212, %add3A_288 : i32
      %get3A_290 = arith.index_cast %add3A_289 : i32 to index
      %get3A_291 = tpu.vector_load %arg10[%get3A_290] {strides = array<i32>} : memref<4096xf32, #tpu.memory_space<vmem>>, vector<16xf32>,
      %add3A_292 = arith.addf %scan3A_210, %get3A_291 : vector<16xf32>
      scf.yield %add3A_217, %add3A_222, %add3A_227, %add3A_232, %add3A_237, %add3A_242, %add3A_247, %add3A_252, %add3A_257, %add3A_262, %add3A_267, %add3A_272, %add3A_277, %add3A_282, %add3A_287, %add3A_292 : vector<16xf32>, vector<16xf32>, vector<16xf32>, vector<16xf32>, vector<16xf32>, vector<16xf32>, vector<16xf32>, vector<16xf32>, vector<16xf32>, vector<16xf32>, vector<16xf32>, vector<16xf32>, vector<16xf32>, vector<16xf32>, vector<16xf32>, vector<16xf32>
    }
    %scan3A_141 = arith.constant 15 : i32
    %swap3A = arith.constant 0 : index
    %swap3A_142 = tpu.vector_load %arg11[%swap3A] {strides = array<i32>} : memref<256xf32, #tpu.memory_space<vmem>>, vector<16xf32>,
    tpu.vector_store %arg11[%swap3A], %scan3A_140#0 {strides = array<i32>} : memref<256xf32, #tpu.memory_space<vmem>>, vector<16xf32>,
    %swap3A_143 = arith.constant 16 : index
    %swap3A_144 = tpu.vector_load %arg11[%swap3A_143] {strides = array<i32>} : memref<256xf32, #tpu.memory_space<vmem>>, vector<16xf32>,
    tpu.vector_store %arg11[%swap3A_143], %scan3A_140#1 {strides = array<i32>} : memref<256xf32, #tpu.memory_space<vmem>>, vector<16xf32>,
    %swap3A_145 = arith.constant 32 : index
    %swap3A_146 = tpu.vector_load %arg11[%swap3A_145] {strides = array<i32>} : memref<256xf32, #tpu.memory_space<vmem>>, vector<16xf32>,
    tpu.vector_store %arg11[%swap3A_145], %scan3A_140#2 {strides = array<i32>} : memref<256xf32, #tpu.memory_space<vmem>>, vector<16xf32>,
    %swap3A_147 = arith.constant 48 : index
    %swap3A_148 = tpu.vector_load %arg11[%swap3A_147] {strides = array<i32>} : memref<256xf32, #tpu.memory_space<vmem>>, vector<16xf32>,
    tpu.vector_store %arg11[%swap3A_147], %scan3A_140#3 {strides = array<i32>} : memref<256xf32, #tpu.memory_space<vmem>>, vector<16xf32>,
    %swap3A_149 = arith.constant 64 : index
    %swap3A_150 = tpu.vector_load %arg11[%swap3A_149] {strides = array<i32>} : memref<256xf32, #tpu.memory_space<vmem>>, vector<16xf32>,
    tpu.vector_store %arg11[%swap3A_149], %scan3A_140#4 {strides = array<i32>} : memref<256xf32, #tpu.memory_space<vmem>>, vector<16xf32>,
    %swap3A_151 = arith.constant 80 : index
    %swap3A_152 = tpu.vector_load %arg11[%swap3A_151] {strides = array<i32>} : memref<256xf32, #tpu.memory_space<vmem>>, vector<16xf32>,
    tpu.vector_store %arg11[%swap3A_151], %scan3A_140#5 {strides = array<i32>} : memref<256xf32, #tpu.memory_space<vmem>>, vector<16xf32>,
    %swap3A_153 = arith.constant 96 : index
    %swap3A_154 = tpu.vector_load %arg11[%swap3A_153] {strides = array<i32>} : memref<256xf32, #tpu.memory_space<vmem>>, vector<16xf32>,
    tpu.vector_store %arg11[%swap3A_153], %scan3A_140#6 {strides = array<i32>} : memref<256xf32, #tpu.memory_space<vmem>>, vector<16xf32>,
    %swap3A_155 = arith.constant 112 : index
    %swap3A_156 = tpu.vector_load %arg11[%swap3A_155] {strides = array<i32>} : memref<256xf32, #tpu.memory_space<vmem>>, vector<16xf32>,
    tpu.vector_store %arg11[%swap3A_155], %scan3A_140#7 {strides = array<i32>} : memref<256xf32, #tpu.memory_space<vmem>>, vector<16xf32>,
    %swap3A_157 = arith.constant 128 : index
    %swap3A_158 = tpu.vector_load %arg11[%swap3A_157] {strides = array<i32>} : memref<256xf32, #tpu.memory_space<vmem>>, vector<16xf32>,
    tpu.vector_store %arg11[%swap3A_157], %scan3A_140#8 {strides = array<i32>} : memref<256xf32, #tpu.memory_space<vmem>>, vector<16xf32>,
    %swap3A_159 = arith.constant 144 : index
    %swap3A_160 = tpu.vector_load %arg11[%swap3A_159] {strides = array<i32>} : memref<256xf32, #tpu.memory_space<vmem>>, vector<16xf32>,
    tpu.vector_store %arg11[%swap3A_159], %scan3A_140#9 {strides = array<i32>} : memref<256xf32, #tpu.memory_space<vmem>>, vector<16xf32>,
    %swap3A_161 = arith.constant 160 : index
    %swap3A_162 = tpu.vector_load %arg11[%swap3A_161] {strides = array<i32>} : memref<256xf32, #tpu.memory_space<vmem>>, vector<16xf32>,
    tpu.vector_store %arg11[%swap3A_161], %scan3A_140#10 {strides = array<i32>} : memref<256xf32, #tpu.memory_space<vmem>>, vector<16xf32>,
    %swap3A_163 = arith.constant 176 : index
    %swap3A_164 = tpu.vector_load %arg11[%swap3A_163] {strides = array<i32>} : memref<256xf32, #tpu.memory_space<vmem>>, vector<16xf32>,
    tpu.vector_store %arg11[%swap3A_163], %scan3A_140#11 {strides = array<i32>} : memref<256xf32, #tpu.memory_space<vmem>>, vector<16xf32>,
    %swap3A_165 = arith.constant 192 : index
    %swap3A_166 = tpu.vector_load %arg11[%swap3A_165] {strides = array<i32>} : memref<256xf32, #tpu.memory_space<vmem>>, vector<16xf32>,
    tpu.vector_store %arg11[%swap3A_165], %scan3A_140#12 {strides = array<i32>} : memref<256xf32, #tpu.memory_space<vmem>>, vector<16xf32>,
    %swap3A_167 = arith.constant 208 : index
    %swap3A_168 = tpu.vector_load %arg11[%swap3A_167] {strides = array<i32>} : memref<256xf32, #tpu.memory_space<vmem>>, vector<16xf32>,
    tpu.vector_store %arg11[%swap3A_167], %scan3A_140#13 {strides = array<i32>} : memref<256xf32, #tpu.memory_space<vmem>>, vector<16xf32>,
    %swap3A_169 = arith.constant 224 : index
    %swap3A_170 = tpu.vector_load %arg11[%swap3A_169] {strides = array<i32>} : memref<256xf32, #tpu.memory_space<vmem>>, vector<16xf32>,
    tpu.vector_store %arg11[%swap3A_169], %scan3A_140#14 {strides = array<i32>} : memref<256xf32, #tpu.memory_space<vmem>>, vector<16xf32>,
    %swap3A_171 = arith.constant 240 : index
    %swap3A_172 = tpu.vector_load %arg11[%swap3A_171] {strides = array<i32>} : memref<256xf32, #tpu.memory_space<vmem>>, vector<16xf32>,
    tpu.vector_store %arg11[%swap3A_171], %scan3A_140#15 {strides = array<i32>} : memref<256xf32, #tpu.memory_space<vmem>>, vector<16xf32>,
    %mul3A_173 = arith.constant 256 : i32
    %mul3A_174 = arith.muli %arg1, %mul3A_173 : i32
    "tpu.region"() ({
      %run_scoped3A = tpu.sem_alloc : memref<!tpu.dma_semaphore, #tpu.memory_space<semaphore_mem>>
      %dma_start3A_194 = tpu.memref_slice %arg14[%mul3A_174] : memref<4096xf32, #tpu.memory_space<vmem_shared>> -> memref<256xf32, #tpu.memory_space<vmem_shared>>
      %dma_start3A_195 = tpu.memref_slice %arg14[%mul3A_174] : memref<4096xf32, #tpu.memory_space<vmem_shared>> -> memref<256xf32, #tpu.memory_space<vmem_shared>>
      tpu.enqueue_dma source(%arg11 : memref<256xf32, #tpu.memory_space<vmem>>) target(%dma_start3A_195 : memref<256xf32, #tpu.memory_space<vmem_shared>>) target_semaphore(%run_scoped3A : memref<!tpu.dma_semaphore, #tpu.memory_space<semaphore_mem>>)
      %dma_wait3A_196 = tpu.memref_slice %arg14[%mul3A_174] : memref<4096xf32, #tpu.memory_space<vmem_shared>> -> memref<256xf32, #tpu.memory_space<vmem_shared>>
      %dma_wait3A_197 = tpu.memref_slice %arg14[%mul3A_174] : memref<4096xf32, #tpu.memory_space<vmem_shared>> -> memref<256xf32, #tpu.memory_space<vmem_shared>>
      tpu.wait_dma2 semaphore(%run_scoped3A : memref<!tpu.dma_semaphore, #tpu.memory_space<semaphore_mem>>) src(%arg11 : memref<256xf32, #tpu.memory_space<vmem>>) dst(%dma_wait3A_197 : memref<256xf32, #tpu.memory_space<vmem_shared>>)
      tpu.yield
    }) : () -> ()
    %barrier3A = arith.constant 0 : index
    tpu.barrier barrier_id(%barrier3A)
    "tpu.region"() ({
      %run_scoped3A = tpu.sem_alloc : memref<!tpu.dma_semaphore, #tpu.memory_space<semaphore_mem>>
      tpu.enqueue_dma source(%arg14 : memref<4096xf32, #tpu.memory_space<vmem_shared>>) target(%arg12 : memref<4096xf32, #tpu.memory_space<vmem>>) target_semaphore(%run_scoped3A : memref<!tpu.dma_semaphore, #tpu.memory_space<semaphore_mem>>)
      tpu.wait_dma2 semaphore(%run_scoped3A : memref<!tpu.dma_semaphore, #tpu.memory_space<semaphore_mem>>) src(%arg14 : memref<4096xf32, #tpu.memory_space<vmem_shared>>) dst(%arg12 : memref<4096xf32, #tpu.memory_space<vmem>>)
      tpu.yield
    }) : () -> ()
    %mul3A_175 = arith.constant 16 : i32
    %mul3A_176 = arith.muli %arg1, %mul3A_175 : i32
    %get3A_177 = arith.index_cast %mul3A_176 : i32 to index
    %get3A_178 = tpu.vector_load %arg12[%get3A_177] {strides = array<i32>} : memref<4096xf32, #tpu.memory_space<vmem>>, vector<16xf32>,
    %scan3A_179 = arith.constant 1 : i32
    %scan3A_180 = arith.constant 15 : i32
    %scan3A_181 = arith.addi %scan3A_179, %scan3A_180 : i32
    %scan3A_182 = arith.constant 1 : i32
    %scan3A_183 = scf.for %scan3A_194 = %scan3A_179 to %scan3A_181 step %scan3A_182 iter_args(%scan3A_195 = %get3A_178) -> (vector<16xf32>)  : i32 {
      %mul3A_196 = arith.constant 256 : i32
      %mul3A_197 = arith.muli %scan3A_194, %mul3A_196 : i32
      %add3A_198 = arith.addi %mul3A_197, %mul3A_176 : i32
      %get3A_199 = arith.index_cast %add3A_198 : i32 to index
      %get3A_200 = tpu.vector_load %arg12[%get3A_199] {strides = array<i32>} : memref<4096xf32, #tpu.memory_space<vmem>>, vector<16xf32>,
      %add3A_201 = arith.addf %scan3A_195, %get3A_200 : vector<16xf32>
      scf.yield %add3A_201 : vector<16xf32>
    }
    %scan3A_184 = arith.constant 15 : i32
    %swap3A_185 = arith.constant 0 : index
    %swap3A_186 = tpu.vector_load %arg13[%swap3A_185] {strides = array<i32>} : memref<16xf32, #tpu.memory_space<vmem>>, vector<16xf32>,
    tpu.vector_store %arg13[%swap3A_185], %scan3A_183 {strides = array<i32>} : memref<16xf32, #tpu.memory_space<vmem>>, vector<16xf32>,
    %lt3A = arith.constant 15 : i32
    %lt3A_187 = arith.cmpi slt, %arg1, %lt3A : i32
    %convert_element_type3A_188 = arith.extui %lt3A_187 : i1 to i32
    %cond3A = arith.constant 0 : i32
    %cond3A_189 = arith.cmpi ne, %convert_element_type3A_188, %cond3A : i32
    scf.if %cond3A_189 {
      "tpu.region"() ({
        %run_scoped3A = tpu.sem_alloc : memref<!tpu.dma_semaphore, #tpu.memory_space<semaphore_mem>>
        %dma_start3A_194 = tpu.memref_slice %arg6[%mul3A_176] : memref<250xf32, #tpu.memory_space<hbm>> -> memref<16xf32, #tpu.memory_space<hbm>>
        %dma_start3A_195 = tpu.memref_slice %arg6[%mul3A_176] : memref<250xf32, #tpu.memory_space<hbm>> -> memref<16xf32, #tpu.memory_space<hbm>>
        tpu.enqueue_dma source(%arg13 : memref<16xf32, #tpu.memory_space<vmem>>) target(%dma_start3A_195 : memref<16xf32, #tpu.memory_space<hbm>>) target_semaphore(%run_scoped3A : memref<!tpu.dma_semaphore, #tpu.memory_space<semaphore_mem>>)
        %dma_wait3A_196 = tpu.memref_slice %arg6[%mul3A_176] : memref<250xf32, #tpu.memory_space<hbm>> -> memref<16xf32, #tpu.memory_space<hbm>>
        %dma_wait3A_197 = tpu.memref_slice %arg6[%mul3A_176] : memref<250xf32, #tpu.memory_space<hbm>> -> memref<16xf32, #tpu.memory_space<hbm>>
        tpu.wait_dma2 semaphore(%run_scoped3A : memref<!tpu.dma_semaphore, #tpu.memory_space<semaphore_mem>>) src(%arg13 : memref<16xf32, #tpu.memory_space<vmem>>) dst(%dma_wait3A_197 : memref<16xf32, #tpu.memory_space<hbm>>)
        tpu.yield
      }) : () -> ()
    } else {
    }
    %eq3A = arith.constant 15 : i32
    %eq3A_190 = arith.cmpi eq, %arg1, %eq3A : i32
    %convert_element_type3A_191 = arith.extui %eq3A_190 : i1 to i32
    %cond3A_192 = arith.constant 0 : i32
    %cond3A_193 = arith.cmpi ne, %convert_element_type3A_191, %cond3A_192 : i32
    scf.if %cond3A_193 {
      "tpu.region"() ({
        %run_scoped3A = tpu.sem_alloc : memref<!tpu.dma_semaphore, #tpu.memory_space<semaphore_mem>>
        %dma_start3A_194 = arith.constant 0 : i32
        %dma_start3A_195 = tpu.memref_slice %arg13[%dma_start3A_194] : memref<16xf32, #tpu.memory_space<vmem>> -> memref<10xf32, #tpu.memory_space<vmem>>
        %dma_start3A_196 = arith.constant 240 : i32
        %dma_start3A_197 = tpu.memref_slice %arg6[%dma_start3A_196] : memref<250xf32, #tpu.memory_space<hbm>> -> memref<10xf32, #tpu.memory_space<hbm>>
        %dma_start3A_198 = arith.constant 240 : i32
        %dma_start3A_199 = tpu.memref_slice %arg6[%dma_start3A_198] : memref<250xf32, #tpu.memory_space<hbm>> -> memref<10xf32, #tpu.memory_space<hbm>>
        %dma_start3A_200 = arith.constant 0 : i32
        %dma_start3A_201 = tpu.memref_slice %arg13[%dma_start3A_200] : memref<16xf32, #tpu.memory_space<vmem>> -> memref<10xf32, #tpu.memory_space<vmem>>
        tpu.enqueue_dma source(%dma_start3A_201 : memref<10xf32, #tpu.memory_space<vmem>>) target(%dma_start3A_199 : memref<10xf32, #tpu.memory_space<hbm>>) target_semaphore(%run_scoped3A : memref<!tpu.dma_semaphore, #tpu.memory_space<semaphore_mem>>)
        %dma_wait3A_202 = arith.constant 0 : i32
        %dma_wait3A_203 = tpu.memref_slice %arg13[%dma_wait3A_202] : memref<16xf32, #tpu.memory_space<vmem>> -> memref<10xf32, #tpu.memory_space<vmem>>
        %dma_wait3A_204 = arith.constant 240 : i32
        %dma_wait3A_205 = tpu.memref_slice %arg6[%dma_wait3A_204] : memref<250xf32, #tpu.memory_space<hbm>> -> memref<10xf32, #tpu.memory_space<hbm>>
        %dma_wait3A_206 = arith.constant 240 : i32
        %dma_wait3A_207 = tpu.memref_slice %arg6[%dma_wait3A_206] : memref<250xf32, #tpu.memory_space<hbm>> -> memref<10xf32, #tpu.memory_space<hbm>>
        %dma_wait3A_208 = arith.constant 0 : i32
        %dma_wait3A_209 = tpu.memref_slice %arg13[%dma_wait3A_208] : memref<16xf32, #tpu.memory_space<vmem>> -> memref<10xf32, #tpu.memory_space<vmem>>
        tpu.wait_dma2 semaphore(%run_scoped3A : memref<!tpu.dma_semaphore, #tpu.memory_space<semaphore_mem>>) src(%dma_wait3A_209 : memref<10xf32, #tpu.memory_space<vmem>>) dst(%dma_wait3A_207 : memref<10xf32, #tpu.memory_space<hbm>>)
        tpu.yield
      }) : () -> ()
    } else {
    }
    return
  }
}

</mosaic_0001>

<sc_bundles>
// kernel: kernel.3.cloned.1.call-start
scs
__scs_entry_jumppad:
0x0: {  	(pc) =	sbr.rel $0x88, $3  }
0x1: {  	(tag) =	ssettag $0x0;
	lr =	simm.s32 $0x1  }
0x2: {  	[smem:$0x3F9E] =	sst lr;
	_ =	strace $0xD0000000  }
0x3: {  	_ = 	snop  }
0x4: {  	_ = 	snop  }
0x5: {  	_ = 	snop  }
0x6: {  	_ = 	snop  }
0x7: {  	_ = 	snop  }
__scs_overlays_trampoline_lowered:
0x8: {  	[smem:$0x3FAD] =	sst s0  }
0x9: {  	[smem:$0x3FAE] =	sst s1  }
0xa: {  	[smem:$0x3FAF] =	sst s2  }
0xb: {  	[smem:$0x3FB0] =	sst s3  }
0xc: {  	[smem:$0x3FB1] =	sst s4  }
0xd: {  	[smem:$0x3FB2] =	sst s5  }
0xe: {  	[smem:$0x3FB3] =	sst s6  }
0xf: {  	[smem:$0x3FB4] =	sst s7  }
0x10: {  	[smem:$0x3FB5] =	sst s8  }
0x11: {  	[smem:$0x3FB6] =	sst s9;
	s0 =	simm.s32 @!p0 $0x0  }
0x12: {  	s1 =	sld [smem:$0x3F9C];
	s0 =	simm.s32 @p0 $0x1  }
0x13: {  	[smem:$0x3FB7] =	sst s0;
	s0 =	simm.s32 @!p1 $0x0  }
0x14: {  	s2 =	sld [smem:$0x3F9B];
	s0 =	simm.s32 @p1 $0x1  }
0x15: {  	[smem:$0x3FB8] =	sst s0;
	s0 =	simm.s32 @!p2 $0x0  }
0x16: {  	s3 =	sld [smem:$0x3FDB];
	s0 =	simm.s32 @p2 $0x1  }
0x17: {  	s4 =	simm.s32 $0x1BF5;
	[smem:$0x3FBA] =	sst s0  }
0x18: {  	s0 =	sld [smem:$0x3F9D];
	_ =	swait.ge [sflag:s4], $0x0  }
0x19: {  	s7 =	sld [smem:$0x3F9E]  }
0x1a: {  	s8 =	sadd.s32 $0xFFFFE003, lr  }
0x1b: {  	s9 =	sadd.s32 $0xFFFFFEF7, lr;
	s5 =	simm.s32 $0xFFFFFFFF;
	p2 =	slt.u32 s8, $0xFFFFF086  }
0x1c: {  	p1 =	slt.u32 s9, $0xF7A;
	s5 =	simm.s32 @!p2 $0x0  }
0x1d: {  	s5 =	simm.s32 @p1 $0x1;
	p0 =	seq.s32 s7, s2  }
0x1e: {  	s7 =	smul.u32 @!p0 $0xF7A, s2;
	p2 =	seq.s32 @!p0 s5, $0x0  }
0x1f: {  	s9 =	smul.u32 $0xF7A, s1;
	s8 =	simm.s32 @!p0 $0x1BF5;
	p2 =	por !p2, p0  }
0x20: {  	[sflag:s8] =	ssyncset.s32 @!p0 $0xFFFFF086;
	s6 =	sadd.s32 @!p0 s3, s7;
	s7 =	simm.s32 @!p0 $0x108  }
0x21: {  	s3 =	sadd.s32 s3, s9;
	s6 =	sadd.s32 @!p0 $0x88, s6;
	s7 =	simm.s32 @p2 $0x1082  }
0x22: {  	[simem:s7], [sflag:s8] =	dma.local @!p0 [hbm:s6], $0xF7A  }
0x23: {  	s9 =	sor.u32 $0xD0000000, s2;
	s6 =	simm.s32 $0x108;
	_ =	swait.ge @!p0 [sflag:s8], $0x0  }
0x24: {  	s3 =	sadd.s32 $0x88, s3;
	s6 =	simm.s32 @!p1 $0x1082;
	[sflag:s4] =	ssyncset.s32 $0xFFFFF086  }
0x25: {  	[simem:s6], [sflag:s4] =	dma.local [hbm:s3], $0xF7A  }
0x26: {  	[smem:$0x3F9E] =	sst s1;
	(tag) =	ssettag s2;
	_ =	strace s9  }
0x27: {  	s1 =	sld [smem:$0x3FAE]  }
0x28: {  	s2 =	sld [smem:$0x3FAF]  }
0x29: {  	s4 =	sld [smem:$0x3FB1]  }
0x2a: {  	p0 =	seq.s32 s5, $0x0;
	s5 =	sld [smem:$0x3FB2]  }
0x2b: {  	s6 =	sld [smem:$0x3FB3]  }
0x2c: {  	s7 =	sld [smem:$0x3FB4]  }
0x2d: {  	s3 =	simm.s32 $0x108;
	s8 =	sld [smem:$0x3FB5]  }
0x2e: {  	s3 =	simm.s32 @!p0 $0x1082;
	s9 =	sld [smem:$0x3FB6]  }
0x2f: {  	lr =	sadd.s32 s0, s3;
	s0 =	sld [smem:$0x3FAD]  }
0x30: {  	s3 =	sld [smem:$0x3FB0]  }
0x31: {  	[smem:$0x3FB9] =	sst s10  }
0x32: {  	s10 =	sld [smem:$0x3FB7];
	_ =	sdelay $0x3  }
0x33: {  	p0 =	seq.s32 s10, $0x1;
	s10 =	sld [smem:$0x3FB9];
	_ =	sdelay $0x3  }
0x34: {  	[smem:$0x3FB9] =	sst s10  }
0x35: {  	s10 =	sld [smem:$0x3FB8];
	_ =	sdelay $0x3  }
0x36: {  	p1 =	seq.s32 s10, $0x1;
	s10 =	sld [smem:$0x3FB9];
	_ =	sdelay $0x3  }
0x37: {  	[smem:$0x3FB9] =	sst s10  }
0x38: {  	s10 =	sld [smem:$0x3FBA]  }
0x39: {  	_ = 	snop;
	(pc) =	sbr.ind lr, $3  }
0x3a: {  	_ = 	snop  }
0x3b: {  	_ = 	snop  }
0x3c: {  	p2 =	seq.s32 s10, $0x1;
	s10 =	sld [smem:$0x3FB9]  }
0x3d: {  	_ =	shalt  }
0x3e: {  	_ =	shalt  }
0x3f: {  	_ =	shalt  }
0x40: {  	_ =	shalt  }
0x41: {  	_ =	shalt  }
0x42: {  	_ =	shalt  }
0x43: {  	_ =	shalt  }
0x44: {  	_ =	shalt  }
0x45: {  	_ =	shalt  }
0x46: {  	_ =	shalt  }
0x47: {  	_ =	shalt  }
0x48: {  	_ =	shalt  }
0x49: {  	_ =	shalt  }
0x4a: {  	_ =	shalt  }
0x4b: {  	_ =	shalt  }
0x4c: {  	_ =	shalt  }
0x4d: {  	_ =	shalt  }
0x4e: {  	_ =	shalt  }
0x4f: {  	_ =	shalt  }
0x50: {  	_ =	shalt  }
0x51: {  	_ =	shalt  }
0x52: {  	_ =	shalt  }
0x53: {  	_ =	shalt  }
0x54: {  	_ =	shalt  }
0x55: {  	_ =	shalt  }
0x56: {  	_ =	shalt  }
0x57: {  	_ =	shalt  }
0x58: {  	_ =	shalt  }
0x59: {  	_ =	shalt  }
0x5a: {  	_ =	shalt  }
0x5b: {  	_ =	shalt  }
0x5c: {  	_ =	shalt  }
0x5d: {  	_ =	shalt  }
0x5e: {  	_ =	shalt  }
0x5f: {  	_ =	shalt  }
0x60: {  	_ =	shalt  }
0x61: {  	_ =	shalt  }
0x62: {  	_ =	shalt  }
0x63: {  	_ =	shalt  }
0x64: {  	_ =	shalt  }
0x65: {  	_ =	shalt  }
0x66: {  	_ =	shalt  }
0x67: {  	_ =	shalt  }
0x68: {  	_ =	shalt  }
0x69: {  	_ =	shalt  }
0x6a: {  	_ =	shalt  }
0x6b: {  	_ =	shalt  }
0x6c: {  	_ =	shalt  }
0x6d: {  	_ =	shalt  }
0x6e: {  	_ =	shalt  }
0x6f: {  	_ =	shalt  }
0x70: {  	_ =	shalt  }
0x71: {  	_ =	shalt  }
0x72: {  	_ =	shalt  }
0x73: {  	_ =	shalt  }
0x74: {  	_ =	shalt  }
0x75: {  	_ =	shalt  }
0x76: {  	_ =	shalt  }
0x77: {  	_ =	shalt  }
0x78: {  	_ =	shalt  }
0x79: {  	_ =	shalt  }
0x7a: {  	_ =	shalt  }
0x7b: {  	_ =	shalt  }
0x7c: {  	_ =	shalt  }
0x7d: {  	_ =	shalt  }
0x7e: {  	_ =	shalt  }
0x7f: {  	_ =	shalt  }
0x80: {  	_ =	shalt  }
0x81: {  	_ =	shalt  }
0x82: {  	_ =	shalt  }
0x83: {  	_ =	shalt  }
0x84: {  	_ =	shalt  }
0x85: {  	_ =	shalt  }
0x86: {  	_ =	shalt  }
0x87: {  	_ =	shalt  }
.Lfunc_end0:
.L_simem_size_0:
called_computation_lowered:
.L_overlay_start_0:
0x88: {  	s0 =	sld [smem:$0x3FD9]  }
0x89: {  	s1 =	sld [smem:$0x3FFE];
	_ =	sdelay $0x3  }
0x8a: {  	s0 =	sadd.s32 s1, s0  }
0x8b: {  	[smem:$0x3FC5] =	sst s0  }
0x8c: {  	_ = 	snop  }
0x8d: {  	s0 =	sld [smem:$0x3FC9]  }
0x8e: {  	s16 =	sld [smem:$0x3FC8]  }
0x8f: {  	s2 =	sld [smem:$0x3FD0];
	(tm) =	ssettm $0x1  }
0x90: {  	s3 =	sld [smem:$0x3FFB];
	_ =	sdelay $0x3  }
0x91: {  	_ =	strace s3  }
0x92: {  	s3 =	sld [smem:$0x3FFC];
	_ =	sdelay $0x3  }
0x93: {  	_ =	strace s3  }
0x94: {  	s3 =	sld [smem:$0x3FFD];
	_ =	sdelay $0x3  }
0x95: {  	_ =	strace s3  }
0x96: {  	_ =	strace $0x8FFFFFFF  }
0x97: {  	s17 =	sld [smem:$0x3FDB];
	_ =	sdelay $0x1  }
0x98: {  	s4 =	simm.s32 $_scs_section_size  }
0x99: {  	s5 =	simm.s32 $_size__tile_overlayer_lowered;
	s6 =	simm.s32 $_tile_overlayer_lowered  }
0x9a: {  	s20 =	simm.s32 $0x1BFF;
	s19 =	sshll.u32 s6, $0x1;
	s3 =	sadd.s32 s4, s17  }
0x9b: {  	s7 =	simm.s32 $0x0;
	s18 =	sshll.u32 s5, $0x1;
	s5 =	sadd.s32 s19, s3  }
0x9c: {  	[timem:s7], [sflag:s20] =	dma.local [hbm:s5], s18  }
0x9d: {  	_ =	swait.ge [sflag:s20], s18  }
0x9e: {  	s4 =	ssub.s32 $0x0, s18;
	[sflag:s20] =	ssyncset.done $0x0  }
0x9f: {  	[sflag:s20] =	ssyncadd.s32 s4;
	_ =	sdelay $0x1  }
0xa0: {  	s21 =	simm.s32 $0x1B8B  }
0xa1: {  	_ =	swait.ge [sflag:s21], $0x1  }
0xa2: {  	[sflag:s21] =	ssyncset.done $0x0  }
0xa3: {  	s23 =	simm.s32 $0x1B8E;
	s22 =	sld [smem:$0x3FFE];
	[sflag:s21] =	ssyncadd.s32 $0xFFFFFFFF  }
0xa4: {  	s24 =	simm.s32 $execute0_lowered;
	[smem:$0x3FD2] =	sst s23  }
0xa5: {  	s5 =	sshll.u32 s24, $0x1;
	_ =	strace $0x80000046;
	[dreg:$0x1] =	wrdreg $0xFFFFFFFF  }
0xa6: {  	s25 =	simm.s32 $_size_execute0_lowered;
	s3 =	sadd.s32 s3, s5;
	[dreg:$0x0] =	wrdreg $0x0  }
0xa7: {  	s5 =	sshll.u32 s25, $0x1;
	[dreg:$0x2] =	wrdreg s3  }
0xa8: {  	[dreg:$0x3] =	wrdreg s5  }
0xa9: {  	[dreg:$0x4] =	wrdreg $0xC0  }
0xaa: {  	_ =	task [dreg:s7], $0x5FFFF  }
0xab: {  	[dreg:$0x1] =	wrdreg $0xFFFFFFFF  }
0xac: {  	[dreg:$0x0] =	wrdreg $0x60  }
0xad: {  	[dreg:$0x2] =	wrdreg s0  }
0xae: {  	[dreg:$0x3] =	wrdreg s16  }
0xaf: {  	[dreg:$0x4] =	wrdreg s22  }
0xb0: {  	[dreg:$0x5] =	wrdreg s2  }
0xb1: {  	[dreg:$0x6] =	wrdreg $0x23000  }
0xb2: {  	[dreg:$0x7] =	wrdreg $0x9  }
0xb3: {  	_ =	task.clear_ibuf [dreg:s7], $0x8FFFF;
	_ =	strace $0x90000046  }
0xb4: {  	s26 =	simm.s32 $0x9;
	_ =	strace $0x80000048  }
0xb5: {  	_ =	swait.ge [sflag:s26], $0x1  }
0xb6: {  	[sflag:s26] =	ssyncadd.s32 $0xFFFFFFFF  }
0xb7: {  	_ =	strace $0x90000048  }
0xb8: {  	_ =	sfence  }
0xb9: {  	s28 =	sld [smem:$0x0];
	_ =	sdelay $0x1  }
0xba: {  	s29 =	srdreg.scid  }
0xbb: {  	s30 =	sshll.u32 s29, $0xD;
	s31 =	sshrl.u32 s29, $0x2  }
0xbc: {  	s1 =	sand.u32 $0x1, s29;
	s2 =	sand.u32 $0x4000, s30;
	s0 =	sadd.s32 s31, s28  }
0xbd: {  	s1 =	sor.u32 s2, s1;
	s0 =	sshll.u32 s0, $0x11  }
0xbe: {  	s0 =	sor.u32 s0, s1  }
0xbf: {  	s0 =	sadd.s32 $0x8F2B, s0  }
0xc0: {  	[sflag:s0] =	ssyncadd.remote.s32 $0x1  }
0xc1: {  	_ =	sfence.sel $0xFFFF  }
0xc2: {  	[dreg:$0x0] =	wrdreg $0xFFFFFFFF;
	(pc) =	sbr.abs _section_cstart, $3  }
0xc3: {  	[dreg:$0x1] =	wrdreg $0xFFFFFFFF  }
0xc4: {  	_ =	task.clear_ibuf [dreg:s7], $0x2FFFF;
	_ =	strace $0x9FFFFFFF  }
0xc5: {  	(tm) =	ssettm $0x7FFFFFFF  }
tec
execute0_lowered:
.L_overlay_start_1:
0x0: {  	(tag) =	ssettag $0x1  }
0x1: {  	s0 =	stileid.u32  }
0x2: {  	v0 =	vlaneseq.u32;
	s1 =	sshll.u32 s0, $0x6  }
0x3: {  	s5 =	rddreg [dreg:$0x0];
	v1 =	vor.u32 s1, v0;
	s2 =	sor.u32 $0x10, s1  }
0x4: {  	s6 =	rddreg [dreg:$0x1];
	s3 =	sor.u32 $0x20, s1;
	v1 =	vcvt.s32.f32 v1;
	v2 =	vor.u32 s2, v0  }
0x5: {  	s7 =	rddreg [dreg:$0x2];
	s8 =	simm.s32 $0x0;
	s1 =	sor.u32 $0x30, s1;
	v3 =	vor.u32 s3, v0;
	v2 =	vcvt.s32.f32 v2  }
0x6: {  	[smem:$0x7FF] =	sst s8;
	v4 =	vor.u32 s1, v0;
	v3 =	vcvt.s32.f32 v3;
	v1 =	vmul.f32 $-1.053605150e-01, v1  }
0x7: {  	s2 =	rddreg [dreg:$0x3];
	v4 =	vcvt.s32.f32 v4;
	v2 =	vmul.f32 $-1.053605150e-01, v2  }
0x8: {  	s3 =	rddreg [dreg:$0x4];
	v3 =	vmul.f32 $-1.053605150e-01, v3;
	v1 =	vmul.f32 $1.442695020e+00, v1  }
0x9: {  	s1 =	rddreg [dreg:$0x5];
	_ =	strace $0x80000047;
	v4 =	vmul.f32 $-1.053605150e-01, v4;
	v2 =	vmul.f32 $1.442695020e+00, v2  }
0xa: {  	(erf) = vpow2.f32 v1;
	v1 =	vmul.f32 $1.442695020e+00, v3  }
0xb: {  	(erf) = vpow2.f32 v2;
	v2 =	vmul.f32 $1.442695020e+00, v4  }
0xc: {  	(erf) = vpow2.f32 v1  }
0xd: {  	(erf) = vpow2.f32 v2;
	_ =	sdelay $0x1  }
0xe: {  	s4 =	simm.s32 $0x180;
	s9 =	sadd.s32 $0x600, s7;
	s10 =	sshll.u32 s0, $0x3  }
0xf: {  	[tilespmem:s4], [sflag:$0x1] =	stream.linear.gather [hbm4b:s9+s8], $0x1000, $0x38;
	[tilespmem:$0x2400] =	vst v63  }
0x10: {  	s5 =	sadd.s32 s5, s10  }
0x11: {  	[tilespmem:s8], [sflag:$0x1] =	stream.linear.gather [hbm4b:s5+s8], $0x40, $0x38;
	[tilespmem:$0x2400] =	vst v63  }
0x12: {  	s26 =	simm.s32 $0x80;
	s25 =	sadd.s32 s6, s10;
	v1 =	vpop (erf)  }
0x13: {  	[tilespmem:s26], [sflag:$0x1] =	stream.linear.gather [hbm4b:s25+s8], $0x40, $0x38;
	v2 =	vpop (erf);
	[tilespmem:$0x2400] =	vst v63  }
0x14: {  	s29 =	simm.s32 $0x100;
	s30 =	simm.s32 $0x1;
	s28 =	sadd.s32 $0x400, s7;
	v3 =	vpop (erf)  }
0x15: {  	[tilespmem:s29], [sflag:$0x1] =	stream.linear.gather [hbm4b:s28+s8], $0x80, $0x38;
	v4 =	vpop (erf);
	[tilespmem:$0x2400] =	vst v63  }
0x16: {  	_ =	swait.ge [sflag:s30], $0x1000  }
0x17: {  	[sflag:s30] =	ssyncset.done $0x0  }
0x18: {  	[sflag:s30] =	ssyncadd.s32 $0xFFFFF000  }
0x19: {  	_ =	swait.ge [sflag:s30], $0x40  }
0x1a: {  	[sflag:s30] =	ssyncset.done $0x0  }
0x1b: {  	[sflag:s30] =	ssyncadd.s32 $0xFFFFFFC0  }
0x1c: {  	_ =	swait.ge [sflag:s30], $0x40  }
0x1d: {  	[sflag:s30] =	ssyncset.done $0x0  }
0x1e: {  	[sflag:s30] =	ssyncadd.s32 $0xFFFFFFC0  }
0x1f: {  	_ =	swait.ge [sflag:s30], $0x80  }
0x20: {  	[sflag:s30] =	ssyncset.done $0x0  }
0x21: {  	[sflag:s30] =	ssyncadd.s32 $0xFFFFFF80  }
0x22: {  	v5 =	vld [tilespmem:$0x100]  }
0x23: {  	v6 =	vld [tilespmem:$0x80];
	_ =	sdelay $0x4  }
0x24: {  	v7 =	vld [tilespmem:$0x0];
	vm0 =	vlt.s32 v6, v5;
	v8 =	vsub.s32 $0x5, v5;
	v9 =	vsub.s32 $0x0, v5  }
0x25: {  	v10 =	vsel vm0, v8, v9  }
0x26: {  	v6 =	vadd.s32 v6, v10  }
0x27: {  	v6 =	vmul.u32 $0x32, v6  }
0x28: {  	v0 =	vmul.u32 $0x100, v0  }
0x29: {  	v6 =	vadd.s32 v6, v7  }
0x2a: {  	v6 =	vadd.s32 v0, v6;
	_ =	sdelay $0x4  }
0x2b: {  	[tilespmem:v6+s4+$0x0] =	vst.idx.add.f32.msk $0xffff, v1  }
0x2c: {  	v1 =	vld [tilespmem:$0x90];
	_ =	sdelay $0x4  }
0x2d: {  	v6 =	vld [tilespmem:$0x10];
	vm13 =	vlt.s32 v1, v5  }
0x2e: {  	v7 =	vsel vm13, v8, v9  }
0x2f: {  	v1 =	vadd.s32 v1, v7  }
0x30: {  	v1 =	vmul.u32 $0x32, v1;
	_ =	sdelay $0x1  }
0x31: {  	v1 =	vadd.s32 v1, v6  }
0x32: {  	v1 =	vadd.s32 v0, v1;
	_ =	sdelay $0x4  }
0x33: {  	[tilespmem:v1+s4+$0x0] =	vst.idx.add.f32.msk $0xffff, v2  }
0x34: {  	v1 =	vld [tilespmem:$0xA0];
	_ =	sdelay $0x4  }
0x35: {  	v2 =	vld [tilespmem:$0x20];
	vm14 =	vlt.s32 v1, v5  }
0x36: {  	v6 =	vsel vm14, v8, v9  }
0x37: {  	v1 =	vadd.s32 v1, v6  }
0x38: {  	v1 =	vmul.u32 $0x32, v1;
	_ =	sdelay $0x1  }
0x39: {  	v1 =	vadd.s32 v1, v2  }
0x3a: {  	v1 =	vadd.s32 v0, v1;
	_ =	sdelay $0x4  }
0x3b: {  	[tilespmem:v1+s4+$0x0] =	vst.idx.add.f32.msk $0xffff, v3  }
0x3c: {  	v1 =	vld [tilespmem:$0xB0];
	_ =	sdelay $0x4  }
0x3d: {  	v2 =	vld [tilespmem:$0x30];
	vm15 =	vlt.s32 v1, v5  }
0x3e: {  	v3 =	vsel vm15, v8, v9  }
0x3f: {  	v1 =	vadd.s32 v1, v3  }
0x40: {  	v1 =	vmul.u32 $0x32, v1;
	_ =	sdelay $0x1  }
0x41: {  	v1 =	vadd.s32 v1, v2  }
0x42: {  	v0 =	vadd.s32 v0, v1;
	_ =	sdelay $0x4  }
0x43: {  	[tilespmem:v0+s4+$0x0] =	vst.idx.add.f32.msk $0xffff, v4  }
0x44: {  	v6 =	vld [tilespmem:$0x180]  }
0x45: {  	v7 =	vld [tilespmem:$0x190]  }
0x46: {  	v8 =	vld [tilespmem:$0x1A0]  }
0x47: {  	v9 =	vld [tilespmem:$0x1B0]  }
0x48: {  	v10 =	vld [tilespmem:$0x1C0]  }
0x49: {  	v18 =	vld [tilespmem:$0x1D0]  }
0x4a: {  	v19 =	vld [tilespmem:$0x1E0]  }
0x4b: {  	v20 =	vld [tilespmem:$0x1F0]  }
0x4c: {  	v21 =	vld [tilespmem:$0x200]  }
0x4d: {  	v22 =	vld [tilespmem:$0x210]  }
0x4e: {  	v5 =	vld [tilespmem:$0x220]  }
0x4f: {  	v3 =	vld [tilespmem:$0x230]  }
0x50: {  	v2 =	vld [tilespmem:$0x240]  }
0x51: {  	v1 =	vld [tilespmem:$0x250]  }
0x52: {  	v0 =	vld [tilespmem:$0x260]  }
0x53: {  	s31 =	simm.s32 $0x0;
	v4 =	vld [tilespmem:$0x270]  }
0x54: {  	v11 =	vld [tilespmem:s31+$0x370]  }
0x55: {  	v12 =	vld [tilespmem:s31+$0x280]  }
0x56: {  	v13 =	vld [tilespmem:s31+$0x290]  }
0x57: {  	v14 =	vld [tilespmem:s31+$0x2A0]  }
0x58: {  	v17 =	vld [tilespmem:s31+$0x2B0]  }
0x59: {  	v23 =	vld [tilespmem:s31+$0x2C0]  }
0x5a: {  	v24 =	vld [tilespmem:s31+$0x2D0]  }
0x5b: {  	v25 =	vld [tilespmem:s31+$0x2E0]  }
0x5c: {  	v26 =	vld [tilespmem:s31+$0x2F0]  }
0x5d: {  	v27 =	vld [tilespmem:s31+$0x300]  }
0x5e: {  	v28 =	vld [tilespmem:s31+$0x310];
	v4 =	vadd.f32 v11, v4  }
0x5f: {  	v16 =	vld [tilespmem:s31+$0x320];
	v15 =	vadd.f32 v12, v6;
	v13 =	vadd.f32 v13, v7  }
0x60: {  	v14 =	vadd.f32 v14, v8;
	v11 =	vadd.f32 v17, v9;
	v17 =	vld [tilespmem:s31+$0x330]  }
0x61: {  	v12 =	vadd.f32 v23, v10;
	v9 =	vadd.f32 v24, v18;
	v18 =	vld [tilespmem:s31+$0x340]  }
0x62: {  	v10 =	vadd.f32 v25, v19;
	v8 =	vadd.f32 v26, v20;
	v19 =	vld [tilespmem:s31+$0x350]  }
0x63: {  	s5 =	simm.s32 $0x800;
	s4 =	simm.s32 $0x100;
	v6 =	vadd.f32 v27, v21;
	v7 =	vadd.f32 v28, v22;
	v20 =	vld [tilespmem:s31+$0x360]  }
.LBB2_1:
0x64: {  	p0 =	sne.s32 s5, $0x3800;
	v21 =	vld [tilespmem:s4+$0x370];
	v5 =	vadd.f32 v16, v5  }
0x65: {  	v16 =	vld [tilespmem:s4+$0x280];
	v3 =	vadd.f32 v17, v3  }
0x66: {  	v17 =	vld [tilespmem:s4+$0x290];
	v2 =	vadd.f32 v18, v2  }
0x67: {  	v18 =	vld [tilespmem:s4+$0x2A0];
	v1 =	vadd.f32 v19, v1  }
0x68: {  	v19 =	vld [tilespmem:s4+$0x2B0];
	v0 =	vadd.f32 v20, v0  }
0x69: {  	v20 =	vld [tilespmem:s4+$0x2C0];
	v4 =	vadd.f32 v21, v4  }
0x6a: {  	v15 =	vadd.f32 v16, v15;
	v16 =	vld [tilespmem:s4+$0x2D0]  }
0x6b: {  	v13 =	vadd.f32 v17, v13;
	v17 =	vld [tilespmem:s4+$0x2E0]  }
0x6c: {  	v14 =	vadd.f32 v18, v14;
	v18 =	vld [tilespmem:s4+$0x2F0]  }
0x6d: {  	v11 =	vadd.f32 v19, v11;
	v19 =	vld [tilespmem:s4+$0x300]  }
0x6e: {  	v12 =	vadd.f32 v20, v12;
	v20 =	vld [tilespmem:s4+$0x310]  }
.Ltmp0:
0x6f: {  	v9 =	vadd.f32 v16, v9;
	v16 =	vld [tilespmem:s4+$0x320];
	(pc) =	sbr.rel @p0 .LBB2_1-.Ltmp0, $4  }
0x70: {  	v10 =	vadd.f32 v17, v10;
	v17 =	vld [tilespmem:s4+$0x330]  }
0x71: {  	v8 =	vadd.f32 v18, v8;
	v18 =	vld [tilespmem:s4+$0x340]  }
0x72: {  	v6 =	vadd.f32 v19, v6;
	v19 =	vld [tilespmem:s4+$0x350]  }
0x73: {  	v7 =	vadd.f32 v20, v7;
	v20 =	vld [tilespmem:s4+$0x360];
	s4 =	sshra.s32 s5, $0x2;
	s5 =	sadd.s32 $0x400, s5  }
0x74: {  	v21 =	vld [tilespmem:s4+$0x370]  }
0x75: {  	v22 =	vld [tilespmem:s4+$0x280]  }
0x76: {  	v23 =	vld [tilespmem:s4+$0x290]  }
0x77: {  	v24 =	vld [tilespmem:s4+$0x2A0]  }
0x78: {  	v25 =	vld [tilespmem:s4+$0x2B0]  }
0x79: {  	v26 =	vld [tilespmem:s4+$0x2C0]  }
0x7a: {  	v27 =	vld [tilespmem:s4+$0x2D0]  }
0x7b: {  	v28 =	vld [tilespmem:s4+$0x2E0]  }
0x7c: {  	v29 =	vld [tilespmem:s4+$0x2F0]  }
0x7d: {  	v30 =	vld [tilespmem:s4+$0x300]  }
0x7e: {  	v31 =	vld [tilespmem:s4+$0x310]  }
0x7f: {  	v32 =	vld [tilespmem:s4+$0x320]  }
0x80: {  	v33 =	vld [tilespmem:s4+$0x330]  }
0x81: {  	v34 =	vld [tilespmem:s4+$0x340];
	v15 =	vadd.f32 v22, v15  }
0x82: {  	v45 =	vld [tilespmem:s4+$0x350];
	v13 =	vadd.f32 v23, v13  }
0x83: {  	v46 =	vld [tilespmem:s4+$0x360];
	v14 =	vadd.f32 v24, v14;
	[tilespmem:$0x1180] =	vst v15  }
0x84: {  	v11 =	vadd.f32 v25, v11;
	[tilespmem:$0x1190] =	vst v13  }
0x85: {  	v12 =	vadd.f32 v26, v12;
	[tilespmem:$0x11A0] =	vst v14  }
0x86: {  	v9 =	vadd.f32 v27, v9;
	[tilespmem:$0x11B0] =	vst v11  }
0x87: {  	v10 =	vadd.f32 v28, v10;
	[tilespmem:$0x11C0] =	vst v12  }
0x88: {  	v8 =	vadd.f32 v29, v8;
	[tilespmem:$0x11D0] =	vst v9  }
0x89: {  	v5 =	vadd.f32 v16, v5;
	v6 =	vadd.f32 v30, v6;
	[tilespmem:$0x11E0] =	vst v10  }
0x8a: {  	v3 =	vadd.f32 v17, v3;
	v7 =	vadd.f32 v31, v7;
	[tilespmem:$0x11F0] =	vst v8  }
0x8b: {  	v2 =	vadd.f32 v18, v2;
	v5 =	vadd.f32 v32, v5;
	[tilespmem:$0x1200] =	vst v6  }
0x8c: {  	v1 =	vadd.f32 v19, v1;
	v3 =	vadd.f32 v33, v3;
	[tilespmem:$0x1210] =	vst v7  }
0x8d: {  	v2 =	vadd.f32 v34, v2;
	[tilespmem:$0x1220] =	vst v5  }
0x8e: {  	v0 =	vadd.f32 v20, v0;
	v1 =	vadd.f32 v45, v1;
	[tilespmem:$0x1230] =	vst v3  }
0x8f: {  	v47 =	vadd.f32 v21, v4;
	[tilespmem:$0x1240] =	vst v2  }
0x90: {  	v0 =	vadd.f32 v46, v0;
	[tilespmem:$0x1250] =	vst v1  }
0x91: {  	s28 =	sshll.u32 s0, $0x8;
	[tilespmem:$0x1270] =	vst v47  }
0x92: {  	s5 =	simm.s32 $0x1180;
	s29 =	simm.s32 $0x2;
	s4 =	sadd.s32 s28, s3;
	[tilespmem:$0x1260] =	vst v0  }
0x93: {  	[spmem:s4] =	stream.linear.scatter [tilespmem:s5], [sflag:$0x2], $0x100, $0x38;
	[tilespmem:$0x2400] =	vst v63  }
0x94: {  	_ =	swait.ge [sflag:s29], $0x100  }
0x95: {  	[sflag:s29] =	ssyncset.done $0x0  }
0x96: {  	[sflag:s29] =	ssyncadd.s32 $0xFFFFFF00  }
0x97: {  	s30 =	simm.s32 $0x1280;
	[bflag:$0x0] =	sbarrier.arrive $0xFFFF  }
0x98: {  	[tilespmem:s30], [sflag:$0x2] =	stream.linear.gather [spmem:s3], $0x1000, $0x38;
	[tilespmem:$0x2400] =	vst v63  }
0x99: {  	_ =	swait.ge [sflag:s29], $0x1000  }
0x9a: {  	[sflag:s29] =	ssyncset.done $0x0  }
0x9b: {  	s31 =	sshll.u32 s0, $0x4;
	[sflag:s29] =	ssyncadd.s32 $0xFFFFF000  }
0x9c: {  	v48 =	vld [tilespmem:s31+$0x1280]  }
0x9d: {  	v49 =	vld [tilespmem:s31+$0x1380];
	_ =	sdelay $0x1  }
0x9e: {  	v50 =	vld [tilespmem:s31+$0x1480];
	_ =	sdelay $0x1  }
0x9f: {  	v51 =	vld [tilespmem:s31+$0x1580]  }
0xa0: {  	v0 =	vadd.f32 v49, v48  }
0xa1: {  	v52 =	vld [tilespmem:s31+$0x1680]  }
0xa2: {  	v0 =	vadd.f32 v50, v0  }
0xa3: {  	v53 =	vld [tilespmem:s31+$0x1780]  }
0xa4: {  	v0 =	vadd.f32 v51, v0  }
0xa5: {  	v54 =	vld [tilespmem:s31+$0x1880]  }
0xa6: {  	v0 =	vadd.f32 v52, v0  }
0xa7: {  	v55 =	vld [tilespmem:s31+$0x1980]  }
0xa8: {  	v0 =	vadd.f32 v53, v0  }
0xa9: {  	v56 =	vld [tilespmem:s31+$0x1A80]  }
0xaa: {  	v0 =	vadd.f32 v54, v0  }
0xab: {  	v57 =	vld [tilespmem:s31+$0x1B80]  }
0xac: {  	v0 =	vadd.f32 v55, v0  }
0xad: {  	v58 =	vld [tilespmem:s31+$0x1C80]  }
0xae: {  	v0 =	vadd.f32 v56, v0  }
0xaf: {  	v59 =	vld [tilespmem:s31+$0x1D80]  }
0xb0: {  	v0 =	vadd.f32 v57, v0  }
0xb1: {  	v60 =	vld [tilespmem:s31+$0x1E80]  }
0xb2: {  	v0 =	vadd.f32 v58, v0  }
0xb3: {  	v61 =	vld [tilespmem:s31+$0x1F80]  }
0xb4: {  	v0 =	vadd.f32 v59, v0  }
0xb5: {  	v62 =	vld [tilespmem:s31+$0x2080]  }
0xb6: {  	v0 =	vadd.f32 v60, v0  }
0xb7: {  	v63 =	vld [tilespmem:s31+$0x2180]  }
0xb8: {  	v0 =	vadd.f32 v61, v0;
	_ =	sdelay $0x1  }
0xb9: {  	v0 =	vadd.f32 v62, v0;
	_ =	sdelay $0x1  }
0xba: {  	v0 =	vadd.f32 v63, v0  }
0xbb: {  	p0 =	seq.s32 s0, $0xF  }
0xbc: {  	s4 =	simm.s32 @p0 $0x0;
	s5 =	simm.s32 @p0 $0x2280;
	s3 =	sadd.s32 @p0 $0x1E, s2;
	[tilespmem:$0x2280] =	vst v0  }
0xbd: {  	[hbm4b:s3+s4] =	stream.linear.scatter @p0 [tilespmem:s5], [sflag:$0x2], $0xA, $0x38;
	[tilespmem:$0x2400] =	vst v63  }
0xbe: {  	s3 =	simm.s32 @p0 $0x2  }
0xbf: {  	_ =	swait.ge @p0 [sflag:s3], $0xA  }
0xc0: {  	[sflag:s3] =	ssyncset.done @p0 $0x0  }
0xc1: {  	[sflag:s3] =	ssyncadd.s32 @p0 $0xFFFFFFF6;
	s3 =	sshll.u32 @!p0 s0, $0x1  }
0xc2: {  	s4 =	simm.s32 @!p0 $0x2280;
	s2 =	sadd.s32 @!p0 s2, s3;
	s3 =	simm.s32 @!p0 $0x0  }
0xc3: {  	[hbm4b:s2+s3] =	stream.linear.scatter @!p0 [tilespmem:s4], [sflag:$0x2], $0x10, $0x38;
	[tilespmem:$0x2400] =	vst v63  }
0xc4: {  	s2 =	simm.s32 @!p0 $0x2  }
0xc5: {  	_ =	swait.ge @!p0 [sflag:s2], $0x10  }
0xc6: {  	[sflag:s2] =	ssyncset.done @!p0 $0x0  }
0xc7: {  	[sflag:s2] =	ssyncadd.s32 @!p0 $0xFFFFFFF0  }
0xc8: {  	_ =	sfence.sel $0x180000  }
0xc9: {  	[bflag:$0x0] =	sbarrier.arrive $0xFFFF  }
0xca: {  	p0 =	sne.s32 s0, $0x0;
	_ =	strace $0x90000047  }
0xcb: {  	s0 =	sadd.s32 @!p0 $0x100000, s1;
	[bflag:$0x2] =	sbarrier.arrive $0xFFFF  }
0xcc: {  	[sflag:s0] =	ssyncadd.tile.s32 @!p0 $0x1;
	_ =	shalt  }
.Lfunc_end2:
_tile_overlayer_lowered:
.L_overlay_start_2:
0xcd: {  	(tag) =	ssettag $0x2  }
0xce: {  	s0 =	rddreg [dreg:$0x0];
	s2 =	stileid.u32  }
0xcf: {  	s1 =	rddreg [dreg:$0x1];
	p0 =	sne.s32 s2, $0x0  }
0xd0: {  	s3 =	rddreg [dreg:$0x2];
	[bflag:$0x3] =	sbarrier.arrive $0xFFFF;
	s2 =	simm.s32 @!p0 $0x1C02  }
0xd1: {  	[timem:s3], [sflag:s2] =	dma.local @!p0 [hbm:s0], s1  }
0xd2: {  	s0 =	simm.s32 @!p0 $0x2  }
0xd3: {  	_ =	swait.ge @!p0 [sflag:s0], s1  }
0xd4: {  	s1 =	ssub.s32 @!p0 $0x0, s1;
	[sflag:s0] =	ssyncset.done @!p0 $0x0  }
0xd5: {  	[sflag:s0] =	ssyncadd.s32 @!p0 s1  }
0xd6: {  	[bflag:$0x3] =	sbarrier.arrive $0xFFFF  }
0xd7: {  	_ =	shalt  }

</sc_bundles>
